<compile_context>
chip_gen: v7x
topology: tpu7x:2x2x1
jax: 0.10.2.dev20260603
libtpu: 0.0.44.dev20260713+nightly
codegen_flags: <defaults>
</compile_context>

<pallas_src>
import functools

import jax
import jax.numpy as jnp
from jax import lax
from jax.experimental import pallas as pl
from jax.experimental.pallas import tpu as pltpu
from jax.experimental.pallas import tpu_sc as plsc

_L = 16
_NS = 16


def _dlm_body(nm, rows_per,
              m_hbm, x_hbm, vx_hbm, f_hbm, out_hbm,
              mbuf, xbuf, vxbuf, abuf, bbuf, fdbuf, accbuf, psum_sp, psum_buf):
    sid = lax.axis_index("s")
    base = sid * rows_per
    ng = rows_per // _L

    pltpu.sync_copy(m_hbm, mbuf)
    pltpu.sync_copy(x_hbm, xbuf)
    pltpu.sync_copy(vx_hbm, vxbuf)


    lane = lax.iota(jnp.int32, _L)
    x = xbuf[...] * 3.0 + 2.0

    m0 = mbuf[pl.ds(0, _L)]
    m1 = mbuf[pl.ds(_L, _L)]
    idx0 = jnp.where(m0 <= x, lane, -1)
    idx1 = jnp.where(m1 <= x, lane + _L, -1)
    idx1 = jnp.where(lane + _L < nm, idx1, -1)
    last = lax.reduce_max(jnp.maximum(idx0, idx1), axes=(0,))
    i_s = jnp.clip(last + 1, 1, nm - 1)
    i_r = i_s + lane * 0

    g0 = plsc.load_gather(mbuf, [i_r - 1])
    g1 = plsc.load_gather(mbuf, [i_r])
    dxm = g1 - g0
    w = jnp.clip((x - g0) / dxm, 0.0, 1.0)
    w = jnp.where(dxm == 0.0, jnp.float32(1.0), w)

    nvx = rows_per * _NS
    col = i_s - 1
    pltpu.sync_copy(f_hbm.at[pl.ds(col * nvx + base, rows_per)], abuf)
    pltpu.sync_copy(f_hbm.at[pl.ds((col + 1) * nvx + base, rows_per)], bbuf)

    def body(g, acc):
        a = abuf[pl.ds(g * _L, _L)]
        b = bbuf[pl.ds(g * _L, _L)]
        fd = a + w * (b - a)
        fdbuf[pl.ds(g * _L, _L)] = fd
        return acc + fd

    acc = lax.fori_loop(0, ng, body, jnp.zeros((_L,), jnp.float32))

    accbuf[...] = acc
    pltpu.sync_copy(accbuf, psum_sp.at[pl.ds(sid * _L, _L)])
    plsc.subcore_barrier()
    pltpu.sync_copy(psum_sp, psum_buf)
    tot = psum_buf[pl.ds(0, _L)]
    for j in range(1, _NS):
        tot = tot + psum_buf[pl.ds(j * _L, _L)]
    total = lax.reduce_sum(tot, axes=(0,))

    dv = vxbuf[pl.ds(_L, _L)] - vxbuf[pl.ds(0, _L)]
    scale = 1.0 / (total * dv)

    def body2(g, carry):
        fdbuf[pl.ds(g * _L, _L)] = fdbuf[pl.ds(g * _L, _L)] * scale
        return carry

    lax.fori_loop(0, ng, body2, jnp.int32(0))
    pltpu.sync_copy(fdbuf, out_hbm.at[pl.ds(base, rows_per)])


def kernel(normed_m, m_ax, f_vx_m, vx):
    nvx, nm = f_vx_m.shape
    rows_per = nvx // _NS

    nm_pad = 2 * _L
    m_pad = jnp.pad(m_ax.astype(jnp.float32), (0, nm_pad - nm))
    x_b = jnp.full((_L,), normed_m, dtype=jnp.float32)
    vx_head = jnp.concatenate([
        jnp.full((_L,), vx[0], dtype=jnp.float32),
        jnp.full((_L,), vx[1], dtype=jnp.float32)])

    mesh = plsc.VectorSubcoreMesh(
        core_axis_name="c", subcore_axis_name="s", num_cores=1)
    run = pl.kernel(
        functools.partial(_dlm_body, nm, rows_per),
        out_type=jax.ShapeDtypeStruct((nvx,), jnp.float32),
        mesh=mesh,
        compiler_params=pltpu.CompilerParams(needs_layout_passes=False),
        scratch_types=[
            pltpu.VMEM((nm_pad,), jnp.float32),
            pltpu.VMEM((_L,), jnp.float32),
            pltpu.VMEM((2 * _L,), jnp.float32),
            pltpu.VMEM((rows_per,), jnp.float32),
            pltpu.VMEM((rows_per,), jnp.float32),
            pltpu.VMEM((rows_per,), jnp.float32),
            pltpu.VMEM((_L,), jnp.float32),
            pltpu.VMEM_SHARED((_NS * _L,), jnp.float32),
            pltpu.VMEM((_NS * _L,), jnp.float32),
        ],
    )
    f_flat = f_vx_m.astype(jnp.float32).T.reshape(nm * nvx)
    return run(m_pad, x_b, vx_head, f_flat)

# --- scband reference (transcript-rebuilt; emitter-appended) ---
"""Pipeline reference for scband-dlm1-v-6674379178655 (READ-ONLY COPY).

The authoritative reference and input builder live on the scoring server;
editing this copy changes nothing except your own understanding.
"""

import jax, jax.numpy as jnp
import numpy as np


def setup_inputs() -> dict:
    nvx = 16384
    vmax = 6.0
    dv = 2 * vmax / nvx
    vx = jnp.linspace(-vmax + dv / 2, vmax - dv / 2, nvx).astype(jnp.float32)
    m_ax = jnp.linspace(2.0, 5.0, 31).astype(jnp.float32)
    # Stand-in for the tabulated DLM distribution table loaded from the .mat file
    # (super-Gaussian exp(-|v|^m) which is exactly what the DLM table contains).
    vx_ax = jnp.linspace(-10.0, 10.0, 200001).astype(jnp.float32)
    projected = jnp.exp(-jnp.abs(vx_ax)[:, None] ** m_ax[None, :])  # [200001, 31]
    # Mirror the __init__ interpolation onto the nvx grid: vmap over the m axis
    f_vx_m = jax.vmap(jnp.interp, in_axes=(None, None, 1), out_axes=1)(vx, vx_ax, projected)  # [nvx, 31]
    # normed_m = (m_val - m_shift) / m_scale = (2.6 - 2.0) / 3.0 = 0.2 (identity inv activation)
    normed_m = jnp.asarray(0.2, dtype=jnp.float32)
    return {"normed_m": normed_m, "m_ax": m_ax, "f_vx_m": f_vx_m, "vx": vx}


def reference(normed_m, m_ax, f_vx_m, vx):
    m_scale = 3.0
    m_shift = 2.0
    # activate=False -> act_fun is identity
    unnormed_m = normed_m * m_scale + m_shift
    # interpolate_f_in_m = vmap(jnp.interp, in_axes=(None, None, 0), out_axes=0)
    fdlm = jax.vmap(jnp.interp, in_axes=(None, None, 0), out_axes=0)(unnormed_m, m_ax, f_vx_m)  # [nvx]
    return fdlm / jnp.sum(fdlm) / (vx[1] - vx[0])

if __name__ == "__main__":
    import jax
    _d = setup_inputs()
    print(jax.jit(kernel)(*tuple(_d.values())))

</pallas_src>

<mosaic_0001>
#map = affine_map<(d0, d1) -> (0)>
module attributes {stable_mosaic.version = 14 : i64} {
  func.func @_dlm_body(%arg0: i32, %arg1: i32, %arg2: memref<32xf32, #tpu.memory_space<hbm>>, %arg3: memref<16xf32, #tpu.memory_space<hbm>>, %arg4: memref<32xf32, #tpu.memory_space<hbm>>, %arg5: memref<507904xf32, #tpu.memory_space<hbm>>, %arg6: memref<16384xf32, #tpu.memory_space<hbm>>, %arg7: memref<32xf32, #tpu.memory_space<vmem>>, %arg8: memref<16xf32, #tpu.memory_space<vmem>>, %arg9: memref<32xf32, #tpu.memory_space<vmem>>, %arg10: memref<1024xf32, #tpu.memory_space<vmem>>, %arg11: memref<1024xf32, #tpu.memory_space<vmem>>, %arg12: memref<1024xf32, #tpu.memory_space<vmem>>, %arg13: memref<16xf32, #tpu.memory_space<vmem>>, %arg14: memref<256xf32, #tpu.memory_space<vmem_shared>>, %arg15: memref<256xf32, #tpu.memory_space<vmem>>) attributes {dimension_semantics = [#tpu.dimension_semantics<core_parallel>, #tpu.dimension_semantics<subcore_parallel>], iteration_bounds = array<i64: 1, 16>, scalar_prefetch = 0 : i64, scratch_operands = 9 : i64, tpu.core_type = #tpu.core_type<sc_vector_subcore>, window_params = [{transform_indices = #map}, {transform_indices = #map}, {transform_indices = #map}, {transform_indices = #map}, {transform_indices = #map}]} {
    %mul3A = arith.constant 1024 : i32
    %mul3A_0 = arith.muli %arg1, %mul3A : i32
    "tpu.region"() ({
      %run_scoped3A = tpu.sem_alloc : memref<!tpu.dma_semaphore, #tpu.memory_space<semaphore_mem>>
      tpu.enqueue_dma source(%arg2 : memref<32xf32, #tpu.memory_space<hbm>>) target(%arg7 : memref<32xf32, #tpu.memory_space<vmem>>) target_semaphore(%run_scoped3A : memref<!tpu.dma_semaphore, #tpu.memory_space<semaphore_mem>>)
      tpu.wait_dma2 semaphore(%run_scoped3A : memref<!tpu.dma_semaphore, #tpu.memory_space<semaphore_mem>>) src(%arg2 : memref<32xf32, #tpu.memory_space<hbm>>) dst(%arg7 : memref<32xf32, #tpu.memory_space<vmem>>)
      tpu.yield
    }) : () -> ()
    "tpu.region"() ({
      %run_scoped3A = tpu.sem_alloc : memref<!tpu.dma_semaphore, #tpu.memory_space<semaphore_mem>>
      tpu.enqueue_dma source(%arg3 : memref<16xf32, #tpu.memory_space<hbm>>) target(%arg8 : memref<16xf32, #tpu.memory_space<vmem>>) target_semaphore(%run_scoped3A : memref<!tpu.dma_semaphore, #tpu.memory_space<semaphore_mem>>)
      tpu.wait_dma2 semaphore(%run_scoped3A : memref<!tpu.dma_semaphore, #tpu.memory_space<semaphore_mem>>) src(%arg3 : memref<16xf32, #tpu.memory_space<hbm>>) dst(%arg8 : memref<16xf32, #tpu.memory_space<vmem>>)
      tpu.yield
    }) : () -> ()
    "tpu.region"() ({
      %run_scoped3A = tpu.sem_alloc : memref<!tpu.dma_semaphore, #tpu.memory_space<semaphore_mem>>
      tpu.enqueue_dma source(%arg4 : memref<32xf32, #tpu.memory_space<hbm>>) target(%arg9 : memref<32xf32, #tpu.memory_space<vmem>>) target_semaphore(%run_scoped3A : memref<!tpu.dma_semaphore, #tpu.memory_space<semaphore_mem>>)
      tpu.wait_dma2 semaphore(%run_scoped3A : memref<!tpu.dma_semaphore, #tpu.memory_space<semaphore_mem>>) src(%arg4 : memref<32xf32, #tpu.memory_space<hbm>>) dst(%arg9 : memref<32xf32, #tpu.memory_space<vmem>>)
      tpu.yield
    }) : () -> ()
    %iota3A = tpu.iota {dimensions = array<i32: 0>} : vector<16xi32>
    %get3A = arith.constant 0 : index
    %get3A_1 = tpu.vector_load %arg8[%get3A] {strides = array<i32>} : memref<16xf32, #tpu.memory_space<vmem>>, vector<16xf32>,
    %mul3A_2 = arith.constant 3.000000e+00 : f32
    %mul3A_3 = vector.broadcast %mul3A_2 : f32 to vector<16xf32>
    %mul3A_4 = arith.mulf %get3A_1, %mul3A_3 : vector<16xf32>
    %add3A = arith.constant 2.000000e+00 : f32
    %add3A_5 = vector.broadcast %add3A : f32 to vector<16xf32>
    %add3A_6 = arith.addf %mul3A_4, %add3A_5 : vector<16xf32>
    %get3A_7 = arith.constant 0 : index
    %get3A_8 = tpu.vector_load %arg7[%get3A_7] {strides = array<i32>} : memref<32xf32, #tpu.memory_space<vmem>>, vector<16xf32>,
    %get3A_9 = arith.constant 16 : index
    %get3A_10 = tpu.vector_load %arg7[%get3A_9] {strides = array<i32>} : memref<32xf32, #tpu.memory_space<vmem>>, vector<16xf32>,
    %le3A = arith.cmpf ole, %get3A_8, %add3A_6 : vector<16xf32>
    %jit3A = arith.constant -1 : i32
    %broadcast_in_dim3A = vector.broadcast %jit3A : i32 to vector<16xi32>
    %select_n3A = arith.select %le3A, %iota3A, %broadcast_in_dim3A : vector<16xi1>, vector<16xi32>
    %le3A_11 = arith.cmpf ole, %get3A_10, %add3A_6 : vector<16xf32>
    %add3A_12 = arith.constant 16 : i32
    %add3A_13 = vector.broadcast %add3A_12 : i32 to vector<16xi32>
    %add3A_14 = arith.addi %iota3A, %add3A_13 : vector<16xi32>
    %jit3A_15 = arith.constant -1 : i32
    %broadcast_in_dim3A_16 = vector.broadcast %jit3A_15 : i32 to vector<16xi32>
    %select_n3A_17 = arith.select %le3A_11, %add3A_14, %broadcast_in_dim3A_16 : vector<16xi1>, vector<16xi32>
    %add3A_18 = arith.constant 16 : i32
    %add3A_19 = vector.broadcast %add3A_18 : i32 to vector<16xi32>
    %add3A_20 = arith.addi %iota3A, %add3A_19 : vector<16xi32>
    %lt3A = arith.constant 31 : i32
    %lt3A_21 = vector.broadcast %lt3A : i32 to vector<16xi32>
    %lt3A_22 = arith.cmpi slt, %add3A_20, %lt3A_21 : vector<16xi32>
    %jit3A_23 = arith.constant -1 : i32
    %broadcast_in_dim3A_24 = vector.broadcast %jit3A_23 : i32 to vector<16xi32>
    %select_n3A_25 = arith.select %lt3A_22, %select_n3A_17, %broadcast_in_dim3A_24 : vector<16xi1>, vector<16xi32>
    %max3A = arith.maxsi %select_n3A, %select_n3A_25 : vector<16xi32>
    %reduce_max3A = arith.constant true
    %reduce_max3A_26 = vector.broadcast %reduce_max3A : i1 to vector<16xi1>
    %reduce_max3A_27 = arith.constant -2147483648 : i32
    %reduce_max3A_28 = vector.broadcast %reduce_max3A_27 : i32 to vector<16xi32>
    %reduce_max3A_29 = arith.xori %max3A, %reduce_max3A_28 : vector<16xi32>
    %reduce_max3A_30 = tpu.scan <max>, %reduce_max3A_29 masked %reduce_max3A_26 : vector<16xi32>, vector<16xi1> -> vector<16xi32>
    %reduce_max3A_31 = arith.xori %reduce_max3A_30, %reduce_max3A_28 : vector<16xi32>
    %reduce_max3A_32 = vector.extract %reduce_max3A_31[15] : i32 from vector<16xi32>
    %add3A_33 = arith.constant 1 : i32
    %add3A_34 = arith.addi %reduce_max3A_32, %add3A_33 : i32
    %jit3A_35 = arith.constant 1 : i32
    %jit3A_36 = arith.constant 30 : i32
    %max3A_37 = arith.maxsi %jit3A_35, %add3A_34 : i32
    %min3A = arith.minsi %jit3A_36, %max3A_37 : i32
    %mul3A_38 = arith.constant 0 : i32
    %mul3A_39 = vector.broadcast %mul3A_38 : i32 to vector<16xi32>
    %mul3A_40 = arith.muli %iota3A, %mul3A_39 : vector<16xi32>
    %add3A_41 = vector.broadcast %min3A : i32 to vector<16xi32>
    %add3A_42 = arith.addi %add3A_41, %mul3A_40 : vector<16xi32>
    %sub3A = arith.constant 1 : i32
    %sub3A_43 = vector.broadcast %sub3A : i32 to vector<16xi32>
    %sub3A_44 = arith.subi %add3A_42, %sub3A_43 : vector<16xi32>
    %gather3A = tpu.vector_load_idx %arg7[%sub3A_44] : memref<32xf32, #tpu.memory_space<vmem>>[vector<16xi32>], vector<16xf32>,
    %gather3A_45 = tpu.vector_load_idx %arg7[%add3A_42] : memref<32xf32, #tpu.memory_space<vmem>>[vector<16xi32>], vector<16xf32>,
    %sub3A_46 = arith.subf %gather3A_45, %gather3A : vector<16xf32>
    %sub3A_47 = arith.subf %add3A_6, %gather3A : vector<16xf32>
    %div3A = arith.divf %sub3A_47, %sub3A_46 : vector<16xf32>
    %jit3A_48 = arith.constant 0.000000e+00 : f32
    %jit3A_49 = arith.constant 1.000000e+00 : f32
    %max3A_50 = vector.broadcast %jit3A_48 : f32 to vector<16xf32>
    %max3A_51 = arith.maximumf %max3A_50, %div3A : vector<16xf32>
    %min3A_52 = vector.broadcast %jit3A_49 : f32 to vector<16xf32>
    %min3A_53 = arith.minimumf %min3A_52, %max3A_51 : vector<16xf32>
    %eq3A = arith.constant 0.000000e+00 : f32
    %eq3A_54 = vector.broadcast %eq3A : f32 to vector<16xf32>
    %eq3A_55 = arith.cmpf oeq, %sub3A_46, %eq3A_54 : vector<16xf32>
    %jit3A_56 = arith.constant 1.000000e+00 : f32
    %broadcast_in_dim3A_57 = vector.broadcast %jit3A_56 : f32 to vector<16xf32>
    %select_n3A_58 = arith.select %eq3A_55, %broadcast_in_dim3A_57, %min3A_53 : vector<16xi1>, vector<16xf32>
    %sub3A_59 = arith.constant 1 : i32
    %sub3A_60 = arith.subi %min3A, %sub3A_59 : i32
    %mul3A_61 = arith.constant 16384 : i32
    %mul3A_62 = arith.muli %sub3A_60, %mul3A_61 : i32
    %add3A_63 = arith.addi %mul3A_62, %mul3A_0 : i32
    "tpu.region"() ({
      %run_scoped3A = tpu.sem_alloc : memref<!tpu.dma_semaphore, #tpu.memory_space<semaphore_mem>>
      %dma_start3A = tpu.memref_slice %arg5[%add3A_63] : memref<507904xf32, #tpu.memory_space<hbm>> -> memref<1024xf32, #tpu.memory_space<hbm>>
      %dma_start3A_145 = tpu.memref_slice %arg5[%add3A_63] : memref<507904xf32, #tpu.memory_space<hbm>> -> memref<1024xf32, #tpu.memory_space<hbm>>
      tpu.enqueue_dma source(%dma_start3A_145 : memref<1024xf32, #tpu.memory_space<hbm>>) target(%arg10 : memref<1024xf32, #tpu.memory_space<vmem>>) target_semaphore(%run_scoped3A : memref<!tpu.dma_semaphore, #tpu.memory_space<semaphore_mem>>)
      %dma_wait3A = tpu.memref_slice %arg5[%add3A_63] : memref<507904xf32, #tpu.memory_space<hbm>> -> memref<1024xf32, #tpu.memory_space<hbm>>
      %dma_wait3A_146 = tpu.memref_slice %arg5[%add3A_63] : memref<507904xf32, #tpu.memory_space<hbm>> -> memref<1024xf32, #tpu.memory_space<hbm>>
      tpu.wait_dma2 semaphore(%run_scoped3A : memref<!tpu.dma_semaphore, #tpu.memory_space<semaphore_mem>>) src(%dma_wait3A_146 : memref<1024xf32, #tpu.memory_space<hbm>>) dst(%arg10 : memref<1024xf32, #tpu.memory_space<vmem>>)
      tpu.yield
    }) : () -> ()
    %add3A_64 = arith.constant 1 : i32
    %add3A_65 = arith.addi %sub3A_60, %add3A_64 : i32
    %mul3A_66 = arith.constant 16384 : i32
    %mul3A_67 = arith.muli %add3A_65, %mul3A_66 : i32
    %add3A_68 = arith.addi %mul3A_67, %mul3A_0 : i32
    "tpu.region"() ({
      %run_scoped3A = tpu.sem_alloc : memref<!tpu.dma_semaphore, #tpu.memory_space<semaphore_mem>>
      %dma_start3A = tpu.memref_slice %arg5[%add3A_68] : memref<507904xf32, #tpu.memory_space<hbm>> -> memref<1024xf32, #tpu.memory_space<hbm>>
      %dma_start3A_145 = tpu.memref_slice %arg5[%add3A_68] : memref<507904xf32, #tpu.memory_space<hbm>> -> memref<1024xf32, #tpu.memory_space<hbm>>
      tpu.enqueue_dma source(%dma_start3A_145 : memref<1024xf32, #tpu.memory_space<hbm>>) target(%arg11 : memref<1024xf32, #tpu.memory_space<vmem>>) target_semaphore(%run_scoped3A : memref<!tpu.dma_semaphore, #tpu.memory_space<semaphore_mem>>)
      %dma_wait3A = tpu.memref_slice %arg5[%add3A_68] : memref<507904xf32, #tpu.memory_space<hbm>> -> memref<1024xf32, #tpu.memory_space<hbm>>
      %dma_wait3A_146 = tpu.memref_slice %arg5[%add3A_68] : memref<507904xf32, #tpu.memory_space<hbm>> -> memref<1024xf32, #tpu.memory_space<hbm>>
      tpu.wait_dma2 semaphore(%run_scoped3A : memref<!tpu.dma_semaphore, #tpu.memory_space<semaphore_mem>>) src(%dma_wait3A_146 : memref<1024xf32, #tpu.memory_space<hbm>>) dst(%arg11 : memref<1024xf32, #tpu.memory_space<vmem>>)
      tpu.yield
    }) : () -> ()
    %broadcast_in_dim3A_69 = arith.constant 0.000000e+00 : f32
    %broadcast_in_dim3A_70 = vector.broadcast %broadcast_in_dim3A_69 : f32 to vector<16xf32>
    %scan3A = arith.constant 0 : i32
    %scan3A_71 = arith.constant 64 : i32
    %scan3A_72 = arith.addi %scan3A, %scan3A_71 : i32
    %scan3A_73 = arith.constant 1 : i32
    %scan3A_74 = scf.for %scan3A_145 = %scan3A to %scan3A_72 step %scan3A_73 iter_args(%scan3A_146 = %broadcast_in_dim3A_70) -> (vector<16xf32>)  : i32 {
      %mul3A_147 = arith.constant 16 : i32
      %mul3A_148 = arith.muli %scan3A_145, %mul3A_147 : i32
      %get3A_149 = arith.index_cast %mul3A_148 : i32 to index
      %get3A_150 = tpu.vector_load %arg10[%get3A_149] {strides = array<i32>} : memref<1024xf32, #tpu.memory_space<vmem>>, vector<16xf32>,
      %mul3A_151 = arith.constant 16 : i32
      %mul3A_152 = arith.muli %scan3A_145, %mul3A_151 : i32
      %get3A_153 = arith.index_cast %mul3A_152 : i32 to index
      %get3A_154 = tpu.vector_load %arg11[%get3A_153] {strides = array<i32>} : memref<1024xf32, #tpu.memory_space<vmem>>, vector<16xf32>,
      %sub3A_155 = arith.subf %get3A_154, %get3A_150 : vector<16xf32>
      %mul3A_156 = arith.mulf %select_n3A_58, %sub3A_155 : vector<16xf32>
      %add3A_157 = arith.addf %get3A_150, %mul3A_156 : vector<16xf32>
      %mul3A_158 = arith.constant 16 : i32
      %mul3A_159 = arith.muli %scan3A_145, %mul3A_158 : i32
      %swap3A_160 = arith.index_cast %mul3A_159 : i32 to index
      %swap3A_161 = tpu.vector_load %arg12[%swap3A_160] {strides = array<i32>} : memref<1024xf32, #tpu.memory_space<vmem>>, vector<16xf32>,
      tpu.vector_store %arg12[%swap3A_160], %add3A_157 {strides = array<i32>} : memref<1024xf32, #tpu.memory_space<vmem>>, vector<16xf32>,
      %add3A_162 = arith.addf %scan3A_146, %add3A_157 : vector<16xf32>
      scf.yield %add3A_162 : vector<16xf32>
    }
    %scan3A_75 = arith.constant 64 : i32
    %swap3A = arith.constant 0 : index
    %swap3A_76 = tpu.vector_load %arg13[%swap3A] {strides = array<i32>} : memref<16xf32, #tpu.memory_space<vmem>>, vector<16xf32>,
    tpu.vector_store %arg13[%swap3A], %scan3A_74 {strides = array<i32>} : memref<16xf32, #tpu.memory_space<vmem>>, vector<16xf32>,
    %mul3A_77 = arith.constant 16 : i32
    %mul3A_78 = arith.muli %arg1, %mul3A_77 : i32
    "tpu.region"() ({
      %run_scoped3A = tpu.sem_alloc : memref<!tpu.dma_semaphore, #tpu.memory_space<semaphore_mem>>
      %dma_start3A = tpu.memref_slice %arg14[%mul3A_78] : memref<256xf32, #tpu.memory_space<vmem_shared>> -> memref<16xf32, #tpu.memory_space<vmem_shared>>
      %dma_start3A_145 = tpu.memref_slice %arg14[%mul3A_78] : memref<256xf32, #tpu.memory_space<vmem_shared>> -> memref<16xf32, #tpu.memory_space<vmem_shared>>
      tpu.enqueue_dma source(%arg13 : memref<16xf32, #tpu.memory_space<vmem>>) target(%dma_start3A_145 : memref<16xf32, #tpu.memory_space<vmem_shared>>) target_semaphore(%run_scoped3A : memref<!tpu.dma_semaphore, #tpu.memory_space<semaphore_mem>>)
      %dma_wait3A = tpu.memref_slice %arg14[%mul3A_78] : memref<256xf32, #tpu.memory_space<vmem_shared>> -> memref<16xf32, #tpu.memory_space<vmem_shared>>
      %dma_wait3A_146 = tpu.memref_slice %arg14[%mul3A_78] : memref<256xf32, #tpu.memory_space<vmem_shared>> -> memref<16xf32, #tpu.memory_space<vmem_shared>>
      tpu.wait_dma2 semaphore(%run_scoped3A : memref<!tpu.dma_semaphore, #tpu.memory_space<semaphore_mem>>) src(%arg13 : memref<16xf32, #tpu.memory_space<vmem>>) dst(%dma_wait3A_146 : memref<16xf32, #tpu.memory_space<vmem_shared>>)
      tpu.yield
    }) : () -> ()
    %barrier3A = arith.constant 0 : index
    tpu.barrier barrier_id(%barrier3A)
    "tpu.region"() ({
      %run_scoped3A = tpu.sem_alloc : memref<!tpu.dma_semaphore, #tpu.memory_space<semaphore_mem>>
      tpu.enqueue_dma source(%arg14 : memref<256xf32, #tpu.memory_space<vmem_shared>>) target(%arg15 : memref<256xf32, #tpu.memory_space<vmem>>) target_semaphore(%run_scoped3A : memref<!tpu.dma_semaphore, #tpu.memory_space<semaphore_mem>>)
      tpu.wait_dma2 semaphore(%run_scoped3A : memref<!tpu.dma_semaphore, #tpu.memory_space<semaphore_mem>>) src(%arg14 : memref<256xf32, #tpu.memory_space<vmem_shared>>) dst(%arg15 : memref<256xf32, #tpu.memory_space<vmem>>)
      tpu.yield
    }) : () -> ()
    %get3A_79 = arith.constant 0 : index
    %get3A_80 = tpu.vector_load %arg15[%get3A_79] {strides = array<i32>} : memref<256xf32, #tpu.memory_space<vmem>>, vector<16xf32>,
    %get3A_81 = arith.constant 16 : index
    %get3A_82 = tpu.vector_load %arg15[%get3A_81] {strides = array<i32>} : memref<256xf32, #tpu.memory_space<vmem>>, vector<16xf32>,
    %add3A_83 = arith.addf %get3A_80, %get3A_82 : vector<16xf32>
    %get3A_84 = arith.constant 32 : index
    %get3A_85 = tpu.vector_load %arg15[%get3A_84] {strides = array<i32>} : memref<256xf32, #tpu.memory_space<vmem>>, vector<16xf32>,
    %add3A_86 = arith.addf %add3A_83, %get3A_85 : vector<16xf32>
    %get3A_87 = arith.constant 48 : index
    %get3A_88 = tpu.vector_load %arg15[%get3A_87] {strides = array<i32>} : memref<256xf32, #tpu.memory_space<vmem>>, vector<16xf32>,
    %add3A_89 = arith.addf %add3A_86, %get3A_88 : vector<16xf32>
    %get3A_90 = arith.constant 64 : index
    %get3A_91 = tpu.vector_load %arg15[%get3A_90] {strides = array<i32>} : memref<256xf32, #tpu.memory_space<vmem>>, vector<16xf32>,
    %add3A_92 = arith.addf %add3A_89, %get3A_91 : vector<16xf32>
    %get3A_93 = arith.constant 80 : index
    %get3A_94 = tpu.vector_load %arg15[%get3A_93] {strides = array<i32>} : memref<256xf32, #tpu.memory_space<vmem>>, vector<16xf32>,
    %add3A_95 = arith.addf %add3A_92, %get3A_94 : vector<16xf32>
    %get3A_96 = arith.constant 96 : index
    %get3A_97 = tpu.vector_load %arg15[%get3A_96] {strides = array<i32>} : memref<256xf32, #tpu.memory_space<vmem>>, vector<16xf32>,
    %add3A_98 = arith.addf %add3A_95, %get3A_97 : vector<16xf32>
    %get3A_99 = arith.constant 112 : index
    %get3A_100 = tpu.vector_load %arg15[%get3A_99] {strides = array<i32>} : memref<256xf32, #tpu.memory_space<vmem>>, vector<16xf32>,
    %add3A_101 = arith.addf %add3A_98, %get3A_100 : vector<16xf32>
    %get3A_102 = arith.constant 128 : index
    %get3A_103 = tpu.vector_load %arg15[%get3A_102] {strides = array<i32>} : memref<256xf32, #tpu.memory_space<vmem>>, vector<16xf32>,
    %add3A_104 = arith.addf %add3A_101, %get3A_103 : vector<16xf32>
    %get3A_105 = arith.constant 144 : index
    %get3A_106 = tpu.vector_load %arg15[%get3A_105] {strides = array<i32>} : memref<256xf32, #tpu.memory_space<vmem>>, vector<16xf32>,
    %add3A_107 = arith.addf %add3A_104, %get3A_106 : vector<16xf32>
    %get3A_108 = arith.constant 160 : index
    %get3A_109 = tpu.vector_load %arg15[%get3A_108] {strides = array<i32>} : memref<256xf32, #tpu.memory_space<vmem>>, vector<16xf32>,
    %add3A_110 = arith.addf %add3A_107, %get3A_109 : vector<16xf32>
    %get3A_111 = arith.constant 176 : index
    %get3A_112 = tpu.vector_load %arg15[%get3A_111] {strides = array<i32>} : memref<256xf32, #tpu.memory_space<vmem>>, vector<16xf32>,
    %add3A_113 = arith.addf %add3A_110, %get3A_112 : vector<16xf32>
    %get3A_114 = arith.constant 192 : index
    %get3A_115 = tpu.vector_load %arg15[%get3A_114] {strides = array<i32>} : memref<256xf32, #tpu.memory_space<vmem>>, vector<16xf32>,
    %add3A_116 = arith.addf %add3A_113, %get3A_115 : vector<16xf32>
    %get3A_117 = arith.constant 208 : index
    %get3A_118 = tpu.vector_load %arg15[%get3A_117] {strides = array<i32>} : memref<256xf32, #tpu.memory_space<vmem>>, vector<16xf32>,
    %add3A_119 = arith.addf %add3A_116, %get3A_118 : vector<16xf32>
    %get3A_120 = arith.constant 224 : index
    %get3A_121 = tpu.vector_load %arg15[%get3A_120] {strides = array<i32>} : memref<256xf32, #tpu.memory_space<vmem>>, vector<16xf32>,
    %add3A_122 = arith.addf %add3A_119, %get3A_121 : vector<16xf32>
    %get3A_123 = arith.constant 240 : index
    %get3A_124 = tpu.vector_load %arg15[%get3A_123] {strides = array<i32>} : memref<256xf32, #tpu.memory_space<vmem>>, vector<16xf32>,
    %add3A_125 = arith.addf %add3A_122, %get3A_124 : vector<16xf32>
    %reduce_sum3A = arith.constant true
    %reduce_sum3A_126 = vector.broadcast %reduce_sum3A : i1 to vector<16xi1>
    %reduce_sum3A_127 = tpu.scan <sum>, %add3A_125 masked %reduce_sum3A_126 : vector<16xf32>, vector<16xi1> -> vector<16xf32>
    %reduce_sum3A_128 = vector.extract %reduce_sum3A_127[15] : f32 from vector<16xf32>
    %get3A_129 = arith.constant 16 : index
    %get3A_130 = tpu.vector_load %arg9[%get3A_129] {strides = array<i32>} : memref<32xf32, #tpu.memory_space<vmem>>, vector<16xf32>,
    %get3A_131 = arith.constant 0 : index
    %get3A_132 = tpu.vector_load %arg9[%get3A_131] {strides = array<i32>} : memref<32xf32, #tpu.memory_space<vmem>>, vector<16xf32>,
    %sub3A_133 = arith.subf %get3A_130, %get3A_132 : vector<16xf32>
    %mul3A_134 = vector.broadcast %reduce_sum3A_128 : f32 to vector<16xf32>
    %mul3A_135 = arith.mulf %mul3A_134, %sub3A_133 : vector<16xf32>
    %div3A_136 = arith.constant 1.000000e+00 : f32
    %div3A_137 = vector.broadcast %div3A_136 : f32 to vector<16xf32>
    %div3A_138 = arith.divf %div3A_137, %mul3A_135 : vector<16xf32>
    %scan3A_139 = arith.constant 0 : i32
    %scan3A_140 = arith.constant 0 : i32
    %scan3A_141 = arith.constant 64 : i32
    %scan3A_142 = arith.addi %scan3A_140, %scan3A_141 : i32
    %scan3A_143 = arith.constant 1 : i32
    scf.for %scan3A_145 = %scan3A_140 to %scan3A_142 step %scan3A_143  : i32 {
      %mul3A_146 = arith.constant 16 : i32
      %mul3A_147 = arith.muli %scan3A_145, %mul3A_146 : i32
      %get3A_148 = arith.index_cast %mul3A_147 : i32 to index
      %get3A_149 = tpu.vector_load %arg12[%get3A_148] {strides = array<i32>} : memref<1024xf32, #tpu.memory_space<vmem>>, vector<16xf32>,
      %mul3A_150 = arith.mulf %get3A_149, %div3A_138 : vector<16xf32>
      %mul3A_151 = arith.constant 16 : i32
      %mul3A_152 = arith.muli %scan3A_145, %mul3A_151 : i32
      %swap3A_153 = arith.index_cast %mul3A_152 : i32 to index
      %swap3A_154 = tpu.vector_load %arg12[%swap3A_153] {strides = array<i32>} : memref<1024xf32, #tpu.memory_space<vmem>>, vector<16xf32>,
      tpu.vector_store %arg12[%swap3A_153], %mul3A_150 {strides = array<i32>} : memref<1024xf32, #tpu.memory_space<vmem>>, vector<16xf32>,
    }
    %scan3A_144 = arith.constant 64 : i32
    "tpu.region"() ({
      %run_scoped3A = tpu.sem_alloc : memref<!tpu.dma_semaphore, #tpu.memory_space<semaphore_mem>>
      %dma_start3A = tpu.memref_slice %arg6[%mul3A_0] : memref<16384xf32, #tpu.memory_space<hbm>> -> memref<1024xf32, #tpu.memory_space<hbm>>
      %dma_start3A_145 = tpu.memref_slice %arg6[%mul3A_0] : memref<16384xf32, #tpu.memory_space<hbm>> -> memref<1024xf32, #tpu.memory_space<hbm>>
      tpu.enqueue_dma source(%arg12 : memref<1024xf32, #tpu.memory_space<vmem>>) target(%dma_start3A_145 : memref<1024xf32, #tpu.memory_space<hbm>>) target_semaphore(%run_scoped3A : memref<!tpu.dma_semaphore, #tpu.memory_space<semaphore_mem>>)
      %dma_wait3A = tpu.memref_slice %arg6[%mul3A_0] : memref<16384xf32, #tpu.memory_space<hbm>> -> memref<1024xf32, #tpu.memory_space<hbm>>
      %dma_wait3A_146 = tpu.memref_slice %arg6[%mul3A_0] : memref<16384xf32, #tpu.memory_space<hbm>> -> memref<1024xf32, #tpu.memory_space<hbm>>
      tpu.wait_dma2 semaphore(%run_scoped3A : memref<!tpu.dma_semaphore, #tpu.memory_space<semaphore_mem>>) src(%arg12 : memref<1024xf32, #tpu.memory_space<vmem>>) dst(%dma_wait3A_146 : memref<1024xf32, #tpu.memory_space<hbm>>)
      tpu.yield
    }) : () -> ()
    return
  }
}

</mosaic_0001>

<sc_bundles>
// kernel: kernel.3.cloned.1.call-start
scs
__scs_entry_jumppad:
0x0: {  	(pc) =	sbr.rel $0x88, $3  }
0x1: {  	(tag) =	ssettag $0x0;
	lr =	simm.s32 $0x1  }
0x2: {  	[smem:$0x3F9D] =	sst lr;
	_ =	strace $0xD0000000  }
0x3: {  	_ = 	snop  }
0x4: {  	_ = 	snop  }
0x5: {  	_ = 	snop  }
0x6: {  	_ = 	snop  }
0x7: {  	_ = 	snop  }
__scs_overlays_trampoline_lowered:
0x8: {  	[smem:$0x3FAC] =	sst s0  }
0x9: {  	[smem:$0x3FAD] =	sst s1  }
0xa: {  	[smem:$0x3FAE] =	sst s2  }
0xb: {  	[smem:$0x3FAF] =	sst s3  }
0xc: {  	[smem:$0x3FB0] =	sst s4  }
0xd: {  	[smem:$0x3FB1] =	sst s5  }
0xe: {  	[smem:$0x3FB2] =	sst s6  }
0xf: {  	[smem:$0x3FB3] =	sst s7  }
0x10: {  	[smem:$0x3FB4] =	sst s8  }
0x11: {  	[smem:$0x3FB5] =	sst s9;
	s0 =	simm.s32 @!p0 $0x0  }
0x12: {  	s1 =	sld [smem:$0x3F9B];
	s0 =	simm.s32 @p0 $0x1  }
0x13: {  	[smem:$0x3FB6] =	sst s0;
	s0 =	simm.s32 @!p1 $0x0  }
0x14: {  	s2 =	sld [smem:$0x3F9A];
	s0 =	simm.s32 @p1 $0x1  }
0x15: {  	[smem:$0x3FB7] =	sst s0;
	s0 =	simm.s32 @!p2 $0x0  }
0x16: {  	s3 =	sld [smem:$0x3FDB];
	s0 =	simm.s32 @p2 $0x1  }
0x17: {  	s4 =	simm.s32 $0x1BF5;
	[smem:$0x3FB9] =	sst s0  }
0x18: {  	s0 =	sld [smem:$0x3F9C];
	_ =	swait.ge [sflag:s4], $0x0  }
0x19: {  	s7 =	sld [smem:$0x3F9D]  }
0x1a: {  	s8 =	sadd.s32 $0xFFFFE003, lr  }
0x1b: {  	s9 =	sadd.s32 $0xFFFFFEF7, lr;
	s5 =	simm.s32 $0xFFFFFFFF;
	p2 =	slt.u32 s8, $0xFFFFF086  }
0x1c: {  	p1 =	slt.u32 s9, $0xF7A;
	s5 =	simm.s32 @!p2 $0x0  }
0x1d: {  	s5 =	simm.s32 @p1 $0x1;
	p0 =	seq.s32 s7, s2  }
0x1e: {  	s7 =	smul.u32 @!p0 $0xF7A, s2;
	p2 =	seq.s32 @!p0 s5, $0x0  }
0x1f: {  	s9 =	smul.u32 $0xF7A, s1;
	s8 =	simm.s32 @!p0 $0x1BF5;
	p2 =	por !p2, p0  }
0x20: {  	[sflag:s8] =	ssyncset.s32 @!p0 $0xFFFFF086;
	s6 =	sadd.s32 @!p0 s3, s7;
	s7 =	simm.s32 @!p0 $0x108  }
0x21: {  	s3 =	sadd.s32 s3, s9;
	s6 =	sadd.s32 @!p0 $0x88, s6;
	s7 =	simm.s32 @p2 $0x1082  }
0x22: {  	[simem:s7], [sflag:s8] =	dma.local @!p0 [hbm:s6], $0xF7A  }
0x23: {  	s9 =	sor.u32 $0xD0000000, s2;
	s6 =	simm.s32 $0x108;
	_ =	swait.ge @!p0 [sflag:s8], $0x0  }
0x24: {  	s3 =	sadd.s32 $0x88, s3;
	s6 =	simm.s32 @!p1 $0x1082;
	[sflag:s4] =	ssyncset.s32 $0xFFFFF086  }
0x25: {  	[simem:s6], [sflag:s4] =	dma.local [hbm:s3], $0xF7A  }
0x26: {  	[smem:$0x3F9D] =	sst s1;
	(tag) =	ssettag s2;
	_ =	strace s9  }
0x27: {  	s1 =	sld [smem:$0x3FAD]  }
0x28: {  	s2 =	sld [smem:$0x3FAE]  }
0x29: {  	s4 =	sld [smem:$0x3FB0]  }
0x2a: {  	p0 =	seq.s32 s5, $0x0;
	s5 =	sld [smem:$0x3FB1]  }
0x2b: {  	s6 =	sld [smem:$0x3FB2]  }
0x2c: {  	s7 =	sld [smem:$0x3FB3]  }
0x2d: {  	s3 =	simm.s32 $0x108;
	s8 =	sld [smem:$0x3FB4]  }
0x2e: {  	s3 =	simm.s32 @!p0 $0x1082;
	s9 =	sld [smem:$0x3FB5]  }
0x2f: {  	lr =	sadd.s32 s0, s3;
	s0 =	sld [smem:$0x3FAC]  }
0x30: {  	s3 =	sld [smem:$0x3FAF]  }
0x31: {  	[smem:$0x3FB8] =	sst s10  }
0x32: {  	s10 =	sld [smem:$0x3FB6];
	_ =	sdelay $0x3  }
0x33: {  	p0 =	seq.s32 s10, $0x1;
	s10 =	sld [smem:$0x3FB8];
	_ =	sdelay $0x3  }
0x34: {  	[smem:$0x3FB8] =	sst s10  }
0x35: {  	s10 =	sld [smem:$0x3FB7];
	_ =	sdelay $0x3  }
0x36: {  	p1 =	seq.s32 s10, $0x1;
	s10 =	sld [smem:$0x3FB8];
	_ =	sdelay $0x3  }
0x37: {  	[smem:$0x3FB8] =	sst s10  }
0x38: {  	s10 =	sld [smem:$0x3FB9]  }
0x39: {  	_ = 	snop;
	(pc) =	sbr.ind lr, $3  }
0x3a: {  	_ = 	snop  }
0x3b: {  	_ = 	snop  }
0x3c: {  	p2 =	seq.s32 s10, $0x1;
	s10 =	sld [smem:$0x3FB8]  }
0x3d: {  	_ =	shalt  }
0x3e: {  	_ =	shalt  }
0x3f: {  	_ =	shalt  }
0x40: {  	_ =	shalt  }
0x41: {  	_ =	shalt  }
0x42: {  	_ =	shalt  }
0x43: {  	_ =	shalt  }
0x44: {  	_ =	shalt  }
0x45: {  	_ =	shalt  }
0x46: {  	_ =	shalt  }
0x47: {  	_ =	shalt  }
0x48: {  	_ =	shalt  }
0x49: {  	_ =	shalt  }
0x4a: {  	_ =	shalt  }
0x4b: {  	_ =	shalt  }
0x4c: {  	_ =	shalt  }
0x4d: {  	_ =	shalt  }
0x4e: {  	_ =	shalt  }
0x4f: {  	_ =	shalt  }
0x50: {  	_ =	shalt  }
0x51: {  	_ =	shalt  }
0x52: {  	_ =	shalt  }
0x53: {  	_ =	shalt  }
0x54: {  	_ =	shalt  }
0x55: {  	_ =	shalt  }
0x56: {  	_ =	shalt  }
0x57: {  	_ =	shalt  }
0x58: {  	_ =	shalt  }
0x59: {  	_ =	shalt  }
0x5a: {  	_ =	shalt  }
0x5b: {  	_ =	shalt  }
0x5c: {  	_ =	shalt  }
0x5d: {  	_ =	shalt  }
0x5e: {  	_ =	shalt  }
0x5f: {  	_ =	shalt  }
0x60: {  	_ =	shalt  }
0x61: {  	_ =	shalt  }
0x62: {  	_ =	shalt  }
0x63: {  	_ =	shalt  }
0x64: {  	_ =	shalt  }
0x65: {  	_ =	shalt  }
0x66: {  	_ =	shalt  }
0x67: {  	_ =	shalt  }
0x68: {  	_ =	shalt  }
0x69: {  	_ =	shalt  }
0x6a: {  	_ =	shalt  }
0x6b: {  	_ =	shalt  }
0x6c: {  	_ =	shalt  }
0x6d: {  	_ =	shalt  }
0x6e: {  	_ =	shalt  }
0x6f: {  	_ =	shalt  }
0x70: {  	_ =	shalt  }
0x71: {  	_ =	shalt  }
0x72: {  	_ =	shalt  }
0x73: {  	_ =	shalt  }
0x74: {  	_ =	shalt  }
0x75: {  	_ =	shalt  }
0x76: {  	_ =	shalt  }
0x77: {  	_ =	shalt  }
0x78: {  	_ =	shalt  }
0x79: {  	_ =	shalt  }
0x7a: {  	_ =	shalt  }
0x7b: {  	_ =	shalt  }
0x7c: {  	_ =	shalt  }
0x7d: {  	_ =	shalt  }
0x7e: {  	_ =	shalt  }
0x7f: {  	_ =	shalt  }
0x80: {  	_ =	shalt  }
0x81: {  	_ =	shalt  }
0x82: {  	_ =	shalt  }
0x83: {  	_ =	shalt  }
0x84: {  	_ =	shalt  }
0x85: {  	_ =	shalt  }
0x86: {  	_ =	shalt  }
0x87: {  	_ =	shalt  }
.Lfunc_end0:
.L_simem_size_0:
called_computation_lowered:
.L_overlay_start_0:
0x88: {  	s0 =	sld [smem:$0x3FD9]  }
0x89: {  	s1 =	sld [smem:$0x3FFE];
	_ =	sdelay $0x3  }
0x8a: {  	s0 =	sadd.s32 s1, s0  }
0x8b: {  	[smem:$0x3FC4] =	sst s0  }
0x8c: {  	_ = 	snop  }
0x8d: {  	s0 =	sld [smem:$0x3FD0];
	(tm) =	ssettm $0x1  }
0x8e: {  	s16 =	sld [smem:$0x3FFB];
	_ =	sdelay $0x3  }
0x8f: {  	_ =	strace s16  }
0x90: {  	s1 =	sld [smem:$0x3FFC];
	_ =	sdelay $0x3  }
0x91: {  	_ =	strace s1  }
0x92: {  	s1 =	sld [smem:$0x3FFD];
	_ =	sdelay $0x3  }
0x93: {  	_ =	strace s1  }
0x94: {  	_ =	strace $0x8FFFFFFF  }
0x95: {  	s17 =	sld [smem:$0x3FDB];
	_ =	sdelay $0x1  }
0x96: {  	s2 =	simm.s32 $_scs_section_size  }
0x97: {  	s3 =	simm.s32 $_size__tile_overlayer_lowered;
	s4 =	simm.s32 $_tile_overlayer_lowered  }
0x98: {  	s20 =	simm.s32 $0x1BFF;
	s19 =	sshll.u32 s4, $0x1;
	s1 =	sadd.s32 s2, s17  }
0x99: {  	s5 =	simm.s32 $0x0;
	s18 =	sshll.u32 s3, $0x1;
	s3 =	sadd.s32 s19, s1  }
0x9a: {  	[timem:s5], [sflag:s20] =	dma.local [hbm:s3], s18  }
0x9b: {  	_ =	swait.ge [sflag:s20], s18  }
0x9c: {  	s2 =	ssub.s32 $0x0, s18;
	[sflag:s20] =	ssyncset.done $0x0  }
0x9d: {  	[sflag:s20] =	ssyncadd.s32 s2;
	_ =	sdelay $0x1  }
0x9e: {  	s21 =	simm.s32 $0x1B8B  }
0x9f: {  	_ =	swait.ge [sflag:s21], $0x1  }
0xa0: {  	[sflag:s21] =	ssyncset.done $0x0  }
0xa1: {  	s23 =	simm.s32 $0x1B8E;
	s22 =	sld [smem:$0x3FFE];
	[sflag:s21] =	ssyncadd.s32 $0xFFFFFFFF  }
0xa2: {  	s24 =	simm.s32 $execute0_lowered;
	[smem:$0x3FD2] =	sst s23  }
0xa3: {  	s3 =	sshll.u32 s24, $0x1;
	_ =	strace $0x80000046;
	[dreg:$0x1] =	wrdreg $0xFFFFFFFF  }
0xa4: {  	s25 =	simm.s32 $_size_execute0_lowered;
	s1 =	sadd.s32 s1, s3;
	[dreg:$0x0] =	wrdreg $0x0  }
0xa5: {  	s3 =	sshll.u32 s25, $0x1;
	[dreg:$0x2] =	wrdreg s1  }
0xa6: {  	[dreg:$0x3] =	wrdreg s3  }
0xa7: {  	[dreg:$0x4] =	wrdreg $0xC0  }
0xa8: {  	_ =	task [dreg:s5], $0x5FFFF  }
0xa9: {  	[dreg:$0x1] =	wrdreg $0xFFFFFFFF  }
0xaa: {  	[dreg:$0x0] =	wrdreg $0x60  }
0xab: {  	[dreg:$0x2] =	wrdreg s22  }
0xac: {  	[dreg:$0x3] =	wrdreg s0  }
0xad: {  	[dreg:$0x4] =	wrdreg $0xE000  }
0xae: {  	[dreg:$0x5] =	wrdreg $0x9  }
0xaf: {  	_ =	task.clear_ibuf [dreg:s5], $0x6FFFF;
	_ =	strace $0x90000046  }
0xb0: {  	s26 =	simm.s32 $0x9;
	_ =	strace $0x80000048  }
0xb1: {  	_ =	swait.ge [sflag:s26], $0x1  }
0xb2: {  	[sflag:s26] =	ssyncadd.s32 $0xFFFFFFFF  }
0xb3: {  	_ =	strace $0x90000048  }
0xb4: {  	_ =	sfence  }
0xb5: {  	s28 =	sld [smem:$0x0];
	_ =	sdelay $0x1  }
0xb6: {  	s29 =	srdreg.scid  }
0xb7: {  	s30 =	sshll.u32 s29, $0xD;
	s31 =	sshrl.u32 s29, $0x2  }
0xb8: {  	s2 =	sand.u32 $0x4000, s30;
	s1 =	sand.u32 $0x1, s29;
	s0 =	sadd.s32 s31, s28  }
0xb9: {  	s1 =	sor.u32 s2, s1;
	s0 =	sshll.u32 s0, $0x11  }
0xba: {  	s0 =	sor.u32 s0, s1  }
0xbb: {  	s0 =	sadd.s32 $0x8F2B, s0  }
0xbc: {  	[sflag:s0] =	ssyncadd.remote.s32 $0x1  }
0xbd: {  	_ =	sfence.sel $0xFFFF  }
0xbe: {  	[dreg:$0x0] =	wrdreg $0xFFFFFFFF;
	(pc) =	sbr.abs _section_cstart, $3  }
0xbf: {  	[dreg:$0x1] =	wrdreg $0xFFFFFFFF  }
0xc0: {  	_ =	task.clear_ibuf [dreg:s5], $0x2FFFF;
	_ =	strace $0x9FFFFFFF  }
0xc1: {  	(tm) =	ssettm $0x7FFFFFFF  }
tec
execute0_lowered:
.L_overlay_start_1:
0x0: {  	(tag) =	ssettag $0x1  }
0x1: {  	s6 =	rddreg [dreg:$0x0]  }
0x2: {  	s1 =	rddreg [dreg:$0x1]  }
0x3: {  	s3 =	rddreg [dreg:$0x2]  }
0x4: {  	s0 =	rddreg [dreg:$0x3];
	s4 =	simm.s32 $0x0  }
0x5: {  	[smem:$0x7FF] =	sst s4  }
0x6: {  	s5 =	simm.s32 $0x1;
	s2 =	sadd.s32 $0x10200, s6;
	_ =	strace $0x80000047  }
0x7: {  	[tilespmem:s4], [sflag:$0x1] =	stream.linear.gather [hbm4b:s2+s4], $0x80, $0x38;
	[tilespmem:$0xF10] =	vst v63  }
0x8: {  	_ =	swait.ge [sflag:s5], $0x80  }
0x9: {  	[sflag:s5] =	ssyncset.done $0x0  }
0xa: {  	s7 =	simm.s32 $0x80;
	s25 =	sadd.s32 $0x10400, s6;
	[sflag:s5] =	ssyncadd.s32 $0xFFFFFF80  }
0xb: {  	[tilespmem:s7], [sflag:$0x1] =	stream.linear.gather [hbm4b:s25+s4], $0x80, $0x38;
	[tilespmem:$0xF10] =	vst v63  }
0xc: {  	_ =	swait.ge [sflag:s5], $0x80  }
0xd: {  	[sflag:s5] =	ssyncset.done $0x0  }
0xe: {  	s28 =	simm.s32 $0x100;
	s26 =	sadd.s32 $0x800, s6;
	[sflag:s5] =	ssyncadd.s32 $0xFFFFFF80  }
0xf: {  	[tilespmem:s28], [sflag:$0x1] =	stream.linear.gather [hbm4b:s26+s4], $0x80, $0x38;
	[tilespmem:$0xF10] =	vst v63  }
0x10: {  	_ =	swait.ge [sflag:s5], $0x80  }
0x11: {  	[sflag:s5] =	ssyncset.done $0x0  }
0x12: {  	[sflag:s5] =	ssyncadd.s32 $0xFFFFFF80  }
0x13: {  	v0 =	vld [tilespmem:$0x80];
	_ =	sdelay $0x3  }
0x14: {  	v1 =	vld [tilespmem:$0x10]  }
0x15: {  	v2 =	vld [tilespmem:$0x0];
	v0 =	vmul.f32 $3.000000000e+00, v0;
	_ =	sdelay $0x1  }
0x16: {  	v0 =	vadd.f32 $2.000000000e+00, v0  }
0x17: {  	v3 =	vlaneseq.u32  }
0x18: {  	vm0 =	vle.f32 v1, v0;
	v1 =	vor.u32 $0x10, v3  }
0x19: {  	vm14 =	veq.s32 v3, $0xF;
	vm1 =	vle.f32 v2, v0;
	v1 =	vnsel vm0, $0xFFFFFFFF, v1  }
0x1a: {  	v2 =	vnsel vm1, $0xFFFFFFFF, v3;
	v1 =	vsel vm14, $0xFFFFFFFF, v1  }
0x1b: {  	vm0 =	vgt.s32 v2, v1  }
0x1c: {  	v1 =	vsel vm0, v2, v1  }
0x1d: {  	v1 =	vxor.u32 $0x80000000, v1  }
0x1e: {  	(xrf0) =	vmax.scan.msk.u32 $0xffff, v1;
	_ =	sdelay $0x5  }
0x1f: {  	v1, _, _ =	vpop (xrf0)  }
0x20: {  	(v2sf) =	vpush v1, $0xF;
	_ =	sdelay $0xe  }
0x21: {  	s29 =	spop (v2sf)  }
0x22: {  	s2 =	sadd.s32 $0x80000001, s29  }
0x23: {  	p0 =	sgt.s32 s2, $0x1  }
0x24: {  	s2 =	simm.s32 @!p0 $0x1  }
0x25: {  	s30 =	smin.u32 s2, $0x1E  }
0x26: {  	v1 =	vmov s30  }
0x27: {  	v2 =	vadd.s32 $0xFFFFFFFF, v1;
	_ =	sdelay $0x3  }
0x28: {  	v1 =	vld.idx.msk [tilespmem:v1+s4+$0x0], $0xffff  }
0x29: {  	v2 =	vld.idx.msk [tilespmem:v2+s4+$0x0], $0xffff;
	_ =	sdelay $0x4  }
0x2a: {  	v1 =	vsub.f32 v1, v2;
	_ =	sdelay $0x1  }
0x2b: {  	(erf) = vrcp.f32 v1;
	_ =	sdelay $0x2  }
0x2c: {  	s2 =	stileid.u32  }
0x2d: {  	s8 =	sshll.u32 s2, $0xA;
	s7 =	sshll.u32 s30, $0xE  }
0x2e: {  	s7 =	sor.u32 s8, s7  }
0x2f: {  	s8 =	sadd.s32 $0xFFFFC000, s7  }
0x30: {  	s6 =	sadd.s32 $0xA00, s6;
	s8 =	sshrl.u32 s8, $0x3  }
0x31: {  	s9 =	simm.s32 $0x180;
	s8 =	sadd.s32 s6, s8  }
0x32: {  	[tilespmem:s9], [sflag:$0x1] =	stream.linear.gather [hbm4b:s8+s4], $0x400, $0x38;
	v3 =	vpop (erf);
	[tilespmem:$0xF10] =	vst v63  }
0x33: {  	_ =	swait.ge [sflag:s5], $0x400  }
0x34: {  	s7 =	sshrl.u32 s7, $0x3;
	[sflag:s5] =	ssyncset.done $0x0  }
0x35: {  	s31 =	simm.s32 $0x580;
	s6 =	sadd.s32 s6, s7;
	[sflag:s5] =	ssyncadd.s32 $0xFFFFFC00  }
0x36: {  	[tilespmem:s31], [sflag:$0x1] =	stream.linear.gather [hbm4b:s6+s4], $0x400, $0x38;
	[tilespmem:$0xF10] =	vst v63  }
0x37: {  	_ =	swait.ge [sflag:s5], $0x400  }
0x38: {  	[sflag:s5] =	ssyncset.done $0x0  }
0x39: {  	s4 =	simm.s32 $0x0;
	[sflag:s5] =	ssyncadd.s32 $0xFFFFFC00  }
0x3a: {  	v4 =	vld [tilespmem:s4+$0x180]  }
0x3b: {  	v0 =	vsub.f32 v0, v2;
	v2 =	vld [tilespmem:s4+$0x580];
	_ =	sdelay $0x1  }
0x3c: {  	v0 =	vmul.f32 v3, v0;
	_ =	sdelay $0x1  }
0x3d: {  	v0 =	vmax.f32 v0, $0.0e+00  }
0x3e: {  	vm15 =	veq.f32 v1, $0.0e+00;
	v0 =	vmin.f32 v0, $1.000000000e+00;
	v1 =	vsub.f32 v2, v4  }
0x3f: {  	v0 =	vsel vm15, $0x3F800000, v0;
	s5 =	simm.s32 $0x10  }
0x40: {  	v5 =	vmul.f32 v1, v0;
	v1 =	vld [tilespmem:s5+$0x180]  }
0x41: {  	v3 =	vld [tilespmem:s5+$0x580];
	_ =	sdelay $0x2  }
0x42: {  	s6 =	simm.s32 $0x80;
	v2 =	vimm.f32 $0.0e+00;
	v4 =	vadd.f32 v5, v4  }
.LBB2_1:
0x43: {  	s7 =	sshra.s32 s6, $0x2;
	v5 =	vmov v1;
	p0 =	sne.s32 s6, $0xFC0  }
.Ltmp0:
0x44: {  	s6 =	sadd.s32 $0x40, s6;
	v1 =	vld [tilespmem:s7+$0x180];
	v6 =	vsub.f32 v3, v5;
	[tilespmem:s4+$0x980] =	vst v4;
	v2 =	vadd.f32 v4, v2;
	(pc) =	sbr.rel @p0 .LBB2_1-.Ltmp0, $3  }
0x45: {  	s4 =	smov.u32 s5;
	s5 =	smov.u32 s7;
	v3 =	vld [tilespmem:s7+$0x580]  }
0x46: {  	v4 =	vmul.f32 v6, v0;
	_ =	sdelay $0x1  }
0x47: {  	v4 =	vadd.f32 v4, v5  }
0x48: {  	_ = 	snop  }
0x49: {  	v3 =	vsub.f32 v3, v1;
	_ =	sdelay $0x1  }
0x4a: {  	v0 =	vmul.f32 v3, v0;
	_ =	sdelay $0x1  }
0x4b: {  	v2 =	vadd.f32 v4, v2;
	v0 =	vadd.f32 v0, v1;
	_ =	sdelay $0x1  }
0x4c: {  	[tilespmem:s4+$0x980] =	vst v4;
	v1 =	vadd.f32 v0, v2  }
0x4d: {  	s28 =	sshll.u32 s2, $0x4;
	[tilespmem:s5+$0x980] =	vst v0  }
0x4e: {  	s29 =	simm.s32 $0xD80;
	s30 =	simm.s32 $0x1;
	s4 =	sadd.s32 s28, s3;
	[tilespmem:$0xD80] =	vst v1  }
0x4f: {  	[spmem:s4] =	stream.linear.scatter [tilespmem:s29], [sflag:$0x1], $0x10, $0x38;
	[tilespmem:$0xF10] =	vst v63  }
0x50: {  	_ =	swait.ge [sflag:s30], $0x10  }
0x51: {  	[sflag:s30] =	ssyncset.done $0x0  }
0x52: {  	[sflag:s30] =	ssyncadd.s32 $0xFFFFFFF0  }
0x53: {  	s31 =	simm.s32 $0xE10;
	[bflag:$0x0] =	sbarrier.arrive $0xFFFF  }
0x54: {  	[tilespmem:s31], [sflag:$0x1] =	stream.linear.gather [spmem:s3], $0x100, $0x38;
	[tilespmem:$0xF10] =	vst v63  }
0x55: {  	_ =	swait.ge [sflag:s30], $0x100  }
0x56: {  	[sflag:s30] =	ssyncset.done $0x0  }
0x57: {  	[sflag:s30] =	ssyncadd.s32 $0xFFFFFF00  }
0x58: {  	v0 =	vld [tilespmem:$0xE10]  }
0x59: {  	v1 =	vld [tilespmem:$0xE20];
	_ =	sdelay $0x1  }
0x5a: {  	v2 =	vld [tilespmem:$0xE30];
	_ =	sdelay $0x1  }
0x5b: {  	v3 =	vld [tilespmem:$0xE40]  }
0x5c: {  	v0 =	vadd.f32 v1, v0  }
0x5d: {  	v1 =	vld [tilespmem:$0xE50]  }
0x5e: {  	v0 =	vadd.f32 v2, v0  }
0x5f: {  	v2 =	vld [tilespmem:$0xE60]  }
0x60: {  	v0 =	vadd.f32 v3, v0  }
0x61: {  	v3 =	vld [tilespmem:$0xE70]  }
0x62: {  	v0 =	vadd.f32 v1, v0  }
0x63: {  	v1 =	vld [tilespmem:$0xE80]  }
0x64: {  	v0 =	vadd.f32 v2, v0  }
0x65: {  	v2 =	vld [tilespmem:$0xE90]  }
0x66: {  	v0 =	vadd.f32 v3, v0  }
0x67: {  	v3 =	vld [tilespmem:$0xEA0]  }
0x68: {  	v0 =	vadd.f32 v1, v0  }
0x69: {  	v1 =	vld [tilespmem:$0xEB0]  }
0x6a: {  	v0 =	vadd.f32 v2, v0  }
0x6b: {  	v2 =	vld [tilespmem:$0xEC0]  }
0x6c: {  	v0 =	vadd.f32 v3, v0  }
0x6d: {  	v3 =	vld [tilespmem:$0xED0]  }
0x6e: {  	v0 =	vadd.f32 v1, v0  }
0x6f: {  	v1 =	vld [tilespmem:$0xEE0]  }
0x70: {  	v0 =	vadd.f32 v2, v0  }
0x71: {  	v2 =	vld [tilespmem:$0xEF0]  }
0x72: {  	v0 =	vadd.f32 v3, v0  }
0x73: {  	v3 =	vld [tilespmem:$0xF00]  }
0x74: {  	v0 =	vadd.f32 v1, v0;
	_ =	sdelay $0x1  }
0x75: {  	v0 =	vadd.f32 v2, v0;
	_ =	sdelay $0x1  }
0x76: {  	v0 =	vadd.f32 v3, v0;
	_ =	sdelay $0x1  }
0x77: {  	(xrf2) =	vadd.scan.msk.f32 $0xffff, v0;
	_ =	sdelay $0x4  }
0x78: {  	v1 =	vld [tilespmem:$0x100]  }
0x79: {  	v0 =	vld [tilespmem:$0x110];
	_ =	sdelay $0x3  }
0x7a: {  	v2, _, _ =	vpop (xrf2)  }
0x7b: {  	v0 =	vsub.f32 v0, v1;
	v1 =	vbroadcast v2, $0xF;
	_ =	sdelay $0x1  }
0x7c: {  	v0 =	vmul.f32 v1, v0;
	_ =	sdelay $0x1  }
0x7d: {  	(erf) = vrcp.f32 v0;
	_ =	sdelay $0x8  }
0x7e: {  	s4 =	simm.s32 $0x40;
	s3 =	simm.s32 $0x0;
	v0 =	vpop (erf)  }
.LBB2_3:
0x7f: {  	p0 =	sne.s32 s4, $0xFC0;
	v1 =	vld [tilespmem:s3+$0x980];
	_ =	sdelay $0x2  }
.Ltmp1:
0x80: {  	(pc) =	sbr.rel @p0 .LBB2_3-.Ltmp1, $3  }
0x81: {  	_ = 	snop  }
0x82: {  	v1 =	vmul.f32 v1, v0;
	_ =	sdelay $0x1  }
0x83: {  	[tilespmem:s3+$0x980] =	vst v1;
	s3 =	sshra.s32 s4, $0x2;
	s4 =	sadd.s32 $0x40, s4  }
0x84: {  	v1 =	vld [tilespmem:s3+$0x980];
	_ =	sdelay $0x4  }
0x85: {  	v0 =	vmul.f32 v1, v0  }
0x86: {  	s4 =	sshll.u32 s2, $0x7;
	s29 =	simm.s32 $0x0  }
0x87: {  	s30 =	simm.s32 $0x980;
	s31 =	simm.s32 $0x1;
	s1 =	sadd.s32 s1, s4;
	[tilespmem:s3+$0x980] =	vst v0  }
0x88: {  	[hbm4b:s1+s29] =	stream.linear.scatter [tilespmem:s30], [sflag:$0x1], $0x400, $0x38;
	[tilespmem:$0xF10] =	vst v63  }
0x89: {  	_ =	swait.ge [sflag:s31], $0x400  }
0x8a: {  	[sflag:s31] =	ssyncset.done $0x0  }
0x8b: {  	[sflag:s31] =	ssyncadd.s32 $0xFFFFFC00  }
0x8c: {  	_ =	sfence.sel $0x180000  }
0x8d: {  	[bflag:$0x0] =	sbarrier.arrive $0xFFFF  }
0x8e: {  	p0 =	sne.s32 s2, $0x0;
	_ =	strace $0x90000047  }
0x8f: {  	s0 =	sadd.s32 @!p0 $0x100000, s0;
	[bflag:$0x2] =	sbarrier.arrive $0xFFFF  }
0x90: {  	[sflag:s0] =	ssyncadd.tile.s32 @!p0 $0x1;
	_ =	shalt  }
.Lfunc_end2:
_tile_overlayer_lowered:
.L_overlay_start_2:
0x91: {  	(tag) =	ssettag $0x2  }
0x92: {  	s0 =	rddreg [dreg:$0x0];
	s2 =	stileid.u32  }
0x93: {  	s1 =	rddreg [dreg:$0x1];
	p0 =	sne.s32 s2, $0x0  }
0x94: {  	s3 =	rddreg [dreg:$0x2];
	[bflag:$0x3] =	sbarrier.arrive $0xFFFF;
	s2 =	simm.s32 @!p0 $0x1C01  }
0x95: {  	[timem:s3], [sflag:s2] =	dma.local @!p0 [hbm:s0], s1  }
0x96: {  	s0 =	simm.s32 @!p0 $0x1  }
0x97: {  	_ =	swait.ge @!p0 [sflag:s0], s1  }
0x98: {  	s1 =	ssub.s32 @!p0 $0x0, s1;
	[sflag:s0] =	ssyncset.done @!p0 $0x0  }
0x99: {  	[sflag:s0] =	ssyncadd.s32 @!p0 s1  }
0x9a: {  	[bflag:$0x3] =	sbarrier.arrive $0xFFFF  }
0x9b: {  	_ =	shalt  }

</sc_bundles>
